<compile_context>
chip_gen: v7x
topology: tpu7x:2x2x1
jax: 0.10.2.dev20260603
libtpu: 0.0.44.dev20260713+nightly
codegen_flags: <defaults>
</compile_context>

<pallas_src>
import functools

import jax
import jax.numpy as jnp
from jax import lax
from jax.experimental import pallas as pl
from jax.experimental.pallas import tpu as pltpu
from jax.experimental.pallas import tpu_sc as plsc

VOCAB = 100000
D_MODEL = 4096
BATCH = 4
SEQ = 8192

_B = BATCH * SEQ

try:
    _info = plsc.get_sparse_core_info()
    _NC, _NS = _info.num_cores, _info.num_subcores
except Exception:
    _NC, _NS = 2, 16
_NW = _NC * _NS
_B_PER_W = _B // _NW
_CHUNK = 8
_NITER = _B_PER_W // _CHUNK
_NBUF = 3


def _sc_embed(ids_flat, table):
    mesh = plsc.VectorSubcoreMesh(core_axis_name="c", subcore_axis_name="s")

    scratch = (
        [pltpu.VMEM((_NITER, _CHUNK), jnp.int32)]
        + [pltpu.VMEM((_CHUNK, D_MODEL), jnp.float32) for _ in range(_NBUF)]
        + [pltpu.SemaphoreType.DMA for _ in range(2 * _NBUF)]
    )

    @functools.partial(
        pl.kernel,
        mesh=mesh,
        out_type=jax.ShapeDtypeStruct((_B, D_MODEL), jnp.float32),
        scratch_types=scratch,
    )
    def k(ids_hbm, table_hbm, out_hbm, idx_v, *rest):
        bufs = rest[:_NBUF]
        gsem = rest[_NBUF:2 * _NBUF]
        ssem = rest[2 * _NBUF:]

        wid = lax.axis_index("s") * _NC + lax.axis_index("c")
        base = wid * _B_PER_W
        pltpu.sync_copy(ids_hbm.at[wid], idx_v)

        def g_start(c, b):
            pltpu.async_copy(table_hbm.at[idx_v.at[c]], bufs[b], gsem[b])

        def g_wait(b):
            pltpu.make_async_copy(
                table_hbm.at[idx_v.at[0]], bufs[b], gsem[b]
            ).wait()

        def s_start(c, b):
            pltpu.async_copy(
                bufs[b], out_hbm.at[pl.ds(base + c * _CHUNK, _CHUNK)], ssem[b]
            )

        def s_wait(b):
            pltpu.make_async_copy(
                bufs[b], out_hbm.at[pl.ds(base, _CHUNK)], ssem[b]
            ).wait()

        for b in range(_NBUF - 1):
            g_start(b, b)

        def step(c, b):
            g_wait(b)
            s_start(c, b)
            fg = c + (_NBUF - 1)
            fb = (b + _NBUF - 1) % _NBUF

            @pl.when(fg < _NITER)
            def _():
                @pl.when(fg >= _NBUF)
                def _():
                    s_wait(fb)

                g_start(fg, fb)

        def body(j, carry):
            for b in range(_NBUF):
                c = j * _NBUF + b

                @pl.when(c < _NITER)
                def _():
                    step(c, b)

            return carry

        lax.fori_loop(0, (_NITER + _NBUF - 1) // _NBUF, body, 0)

        for b in range(_NBUF):
            s_wait(b)

    return k(ids_flat, table)


def kernel(input_ids, table):
    ids = input_ids.reshape(_NW, _NITER, _CHUNK).astype(jnp.int32)
    out = _sc_embed(ids, table)
    return out.reshape(BATCH, SEQ, D_MODEL)

# --- scband reference (transcript-rebuilt; emitter-appended) ---
"""Pipeline reference for scband-embedding-57045755625529 (READ-ONLY COPY).

The authoritative reference and input builder live on the scoring server;
editing this copy changes nothing except your own understanding.
"""

import jax, jax.numpy as jnp
import numpy as np

VOCAB = 100000
D_MODEL = 4096
BATCH = 4
SEQ = 8192

def setup_inputs(seed: int = 0) -> dict:
    key = jax.random.key(seed)
    k_ids, k_tab = jax.random.split(key)
    input_ids = jax.random.randint(k_ids, (BATCH, SEQ), 0, VOCAB, dtype=jnp.int64 if jax.config.read('jax_enable_x64') else jnp.int32)
    table = jax.random.normal(k_tab, (VOCAB, D_MODEL), dtype=jnp.float32) * 0.02
    return {"input_ids": input_ids, "table": table}

def reference(input_ids, table):
    # word embedding lookup: transformer.embedding.word_embeddings(input_ids)
    return jnp.take(table, input_ids, axis=0)

if __name__ == "__main__":
    import jax
    _d = setup_inputs()
    print(jax.jit(kernel)(*tuple(_d.values())))

</pallas_src>

<mosaic_0001>
#map = affine_map<(d0, d1) -> (0, 0, 0)>
#map1 = affine_map<(d0, d1) -> (0, 0)>
module attributes {stable_mosaic.version = 14 : i64} {
  func.func @k(%arg0: i32, %arg1: i32, %arg2: memref<32x128x8xi32, #tpu.memory_space<hbm>>, %arg3: memref<100000x4096xf32, #tpu.memory_space<hbm>>, %arg4: memref<32768x4096xf32, #tpu.memory_space<hbm>>, %arg5: memref<128x8xi32, #tpu.memory_space<vmem>>, %arg6: memref<8x4096xf32, #tpu.memory_space<vmem>>, %arg7: memref<8x4096xf32, #tpu.memory_space<vmem>>, %arg8: memref<8x4096xf32, #tpu.memory_space<vmem>>, %arg9: memref<!tpu.dma_semaphore, #tpu.memory_space<semaphore_mem>>, %arg10: memref<!tpu.dma_semaphore, #tpu.memory_space<semaphore_mem>>, %arg11: memref<!tpu.dma_semaphore, #tpu.memory_space<semaphore_mem>>, %arg12: memref<!tpu.dma_semaphore, #tpu.memory_space<semaphore_mem>>, %arg13: memref<!tpu.dma_semaphore, #tpu.memory_space<semaphore_mem>>, %arg14: memref<!tpu.dma_semaphore, #tpu.memory_space<semaphore_mem>>) attributes {dimension_semantics = [#tpu.dimension_semantics<core_parallel>, #tpu.dimension_semantics<subcore_parallel>], iteration_bounds = array<i64: 2, 16>, scalar_prefetch = 0 : i64, scratch_operands = 10 : i64, tpu.core_type = #tpu.core_type<sc_vector_subcore>, window_params = [{transform_indices = #map}, {transform_indices = #map1}, {transform_indices = #map1}]} {
    %mul3A = arith.constant 2 : i32
    %mul3A_0 = arith.muli %arg1, %mul3A : i32
    %add3A = arith.addi %mul3A_0, %arg0 : i32
    %mul3A_1 = arith.constant 1024 : i32
    %mul3A_2 = arith.muli %add3A, %mul3A_1 : i32
    "tpu.region"() ({
      %run_scoped3A = tpu.sem_alloc : memref<!tpu.dma_semaphore, #tpu.memory_space<semaphore_mem>>
      %dma_start3A_32 = arith.constant 0 : i32
      %dma_start3A_33 = arith.constant 0 : i32
      %dma_start3A_34 = tpu.memref_slice %arg2[%add3A, %dma_start3A_32, %dma_start3A_33] : memref<32x128x8xi32, #tpu.memory_space<hbm>> -> memref<1x128x8xi32, #tpu.memory_space<hbm>>
      %dma_start3A_35 = tpu.memref_squeeze %dma_start3A_34 : memref<1x128x8xi32, #tpu.memory_space<hbm>> -> memref<128x8xi32, #tpu.memory_space<hbm>>
      %dma_start3A_36 = arith.constant 0 : i32
      %dma_start3A_37 = arith.constant 0 : i32
      %dma_start3A_38 = tpu.memref_slice %arg2[%add3A, %dma_start3A_36, %dma_start3A_37] : memref<32x128x8xi32, #tpu.memory_space<hbm>> -> memref<1x128x8xi32, #tpu.memory_space<hbm>>
      %dma_start3A_39 = tpu.memref_squeeze %dma_start3A_38 : memref<1x128x8xi32, #tpu.memory_space<hbm>> -> memref<128x8xi32, #tpu.memory_space<hbm>>
      tpu.enqueue_dma source(%dma_start3A_39 : memref<128x8xi32, #tpu.memory_space<hbm>>) target(%arg5 : memref<128x8xi32, #tpu.memory_space<vmem>>) target_semaphore(%run_scoped3A : memref<!tpu.dma_semaphore, #tpu.memory_space<semaphore_mem>>)
      %dma_wait3A_40 = arith.constant 0 : i32
      %dma_wait3A_41 = arith.constant 0 : i32
      %dma_wait3A_42 = tpu.memref_slice %arg2[%add3A, %dma_wait3A_40, %dma_wait3A_41] : memref<32x128x8xi32, #tpu.memory_space<hbm>> -> memref<1x128x8xi32, #tpu.memory_space<hbm>>
      %dma_wait3A_43 = tpu.memref_squeeze %dma_wait3A_42 : memref<1x128x8xi32, #tpu.memory_space<hbm>> -> memref<128x8xi32, #tpu.memory_space<hbm>>
      %dma_wait3A_44 = arith.constant 0 : i32
      %dma_wait3A_45 = arith.constant 0 : i32
      %dma_wait3A_46 = tpu.memref_slice %arg2[%add3A, %dma_wait3A_44, %dma_wait3A_45] : memref<32x128x8xi32, #tpu.memory_space<hbm>> -> memref<1x128x8xi32, #tpu.memory_space<hbm>>
      %dma_wait3A_47 = tpu.memref_squeeze %dma_wait3A_46 : memref<1x128x8xi32, #tpu.memory_space<hbm>> -> memref<128x8xi32, #tpu.memory_space<hbm>>
      tpu.wait_dma2 semaphore(%run_scoped3A : memref<!tpu.dma_semaphore, #tpu.memory_space<semaphore_mem>>) src(%dma_wait3A_47 : memref<128x8xi32, #tpu.memory_space<hbm>>) dst(%arg5 : memref<128x8xi32, #tpu.memory_space<vmem>>)
      tpu.yield
    }) : () -> ()
    %dma_start3A = arith.constant 0 : i32
    %dma_start3A_3 = arith.constant 0 : i32
    %dma_start3A_4 = tpu.memref_slice %arg5[%dma_start3A, %dma_start3A_3] : memref<128x8xi32, #tpu.memory_space<vmem>> -> memref<1x8xi32, #tpu.memory_space<vmem>>
    %dma_start3A_5 = tpu.memref_squeeze %dma_start3A_4 : memref<1x8xi32, #tpu.memory_space<vmem>> -> memref<8xi32, #tpu.memory_space<vmem>>
    %dma_start3A_6 = arith.constant 0 : i32
    %dma_start3A_7 = arith.constant 0 : i32
    %dma_start3A_8 = tpu.memref_slice %arg3[%dma_start3A_6, %dma_start3A_7] : memref<100000x4096xf32, #tpu.memory_space<hbm>> -> memref<100000x4096xf32, #tpu.memory_space<hbm>>
    tpu.enqueue_indirect_dma source(%dma_start3A_8 : memref<100000x4096xf32, #tpu.memory_space<hbm>>) target(%arg6 : memref<8x4096xf32, #tpu.memory_space<vmem>>) offsets(%dma_start3A_5 : memref<8xi32, #tpu.memory_space<vmem>>) semaphore(%arg9 : memref<!tpu.dma_semaphore, #tpu.memory_space<semaphore_mem>>)
    %dma_start3A_9 = arith.constant 1 : i32
    %dma_start3A_10 = arith.constant 0 : i32
    %dma_start3A_11 = tpu.memref_slice %arg5[%dma_start3A_9, %dma_start3A_10] : memref<128x8xi32, #tpu.memory_space<vmem>> -> memref<1x8xi32, #tpu.memory_space<vmem>>
    %dma_start3A_12 = tpu.memref_squeeze %dma_start3A_11 : memref<1x8xi32, #tpu.memory_space<vmem>> -> memref<8xi32, #tpu.memory_space<vmem>>
    %dma_start3A_13 = arith.constant 0 : i32
    %dma_start3A_14 = arith.constant 0 : i32
    %dma_start3A_15 = tpu.memref_slice %arg3[%dma_start3A_13, %dma_start3A_14] : memref<100000x4096xf32, #tpu.memory_space<hbm>> -> memref<100000x4096xf32, #tpu.memory_space<hbm>>
    tpu.enqueue_indirect_dma source(%dma_start3A_15 : memref<100000x4096xf32, #tpu.memory_space<hbm>>) target(%arg7 : memref<8x4096xf32, #tpu.memory_space<vmem>>) offsets(%dma_start3A_12 : memref<8xi32, #tpu.memory_space<vmem>>) semaphore(%arg10 : memref<!tpu.dma_semaphore, #tpu.memory_space<semaphore_mem>>)
    %scan3A = arith.constant 0 : i32
    %scan3A_16 = arith.constant 0 : i32
    %scan3A_17 = arith.constant 43 : i32
    %scan3A_18 = arith.addi %scan3A_16, %scan3A_17 : i32
    %scan3A_19 = arith.constant 1 : i32
    scf.for %scan3A_32 = %scan3A_16 to %scan3A_18 step %scan3A_19  : i32 {
      %mul3A_33 = arith.constant 3 : i32
      %mul3A_34 = arith.muli %scan3A_32, %mul3A_33 : i32
      %add3A_35 = arith.constant 0 : i32
      %add3A_36 = arith.addi %mul3A_34, %add3A_35 : i32
      %lt3A = arith.constant 128 : i32
      %lt3A_37 = arith.cmpi slt, %add3A_36, %lt3A : i32
      %convert_element_type3A = arith.extui %lt3A_37 : i1 to i32
      %cond3A = arith.constant 0 : i32
      %cond3A_38 = arith.cmpi ne, %convert_element_type3A, %cond3A : i32
      scf.if %cond3A_38 {
        %dma_wait3A_57 = arith.constant 0 : i32
        %dma_wait3A_58 = arith.constant 0 : i32
        %dma_wait3A_59 = tpu.memref_slice %arg5[%dma_wait3A_57, %dma_wait3A_58] : memref<128x8xi32, #tpu.memory_space<vmem>> -> memref<1x8xi32, #tpu.memory_space<vmem>>
        %dma_wait3A_60 = tpu.memref_squeeze %dma_wait3A_59 : memref<1x8xi32, #tpu.memory_space<vmem>> -> memref<8xi32, #tpu.memory_space<vmem>>
        %dma_wait3A_61 = arith.constant 0 : i32
        %dma_wait3A_62 = arith.constant 0 : i32
        %dma_wait3A_63 = tpu.memref_slice %arg3[%dma_wait3A_61, %dma_wait3A_62] : memref<100000x4096xf32, #tpu.memory_space<hbm>> -> memref<100000x4096xf32, #tpu.memory_space<hbm>>
        tpu.wait_indirect_dma semaphore(%arg9 : memref<!tpu.dma_semaphore, #tpu.memory_space<semaphore_mem>>) src(%dma_wait3A_63 : memref<100000x4096xf32, #tpu.memory_space<hbm>>) dst(%arg6 : memref<8x4096xf32, #tpu.memory_space<vmem>>)
        %mul3A_64 = arith.constant 8 : i32
        %mul3A_65 = arith.muli %add3A_36, %mul3A_64 : i32
        %add3A_66 = arith.addi %mul3A_2, %mul3A_65 : i32
        %dma_start3A_67 = arith.constant 0 : i32
        %dma_start3A_68 = tpu.memref_slice %arg4[%add3A_66, %dma_start3A_67] : memref<32768x4096xf32, #tpu.memory_space<hbm>> -> memref<8x4096xf32, #tpu.memory_space<hbm>>
        %dma_start3A_69 = arith.constant 0 : i32
        %dma_start3A_70 = tpu.memref_slice %arg4[%add3A_66, %dma_start3A_69] : memref<32768x4096xf32, #tpu.memory_space<hbm>> -> memref<8x4096xf32, #tpu.memory_space<hbm>>
        tpu.enqueue_dma source(%arg6 : memref<8x4096xf32, #tpu.memory_space<vmem>>) target(%dma_start3A_70 : memref<8x4096xf32, #tpu.memory_space<hbm>>) target_semaphore(%arg12 : memref<!tpu.dma_semaphore, #tpu.memory_space<semaphore_mem>>)
        %add3A_71 = arith.constant 2 : i32
        %add3A_72 = arith.addi %add3A_36, %add3A_71 : i32
        %lt3A_73 = arith.constant 128 : i32
        %lt3A_74 = arith.cmpi slt, %add3A_72, %lt3A_73 : i32
        %convert_element_type3A_75 = arith.extui %lt3A_74 : i1 to i32
        %cond3A_76 = arith.constant 0 : i32
        %cond3A_77 = arith.cmpi ne, %convert_element_type3A_75, %cond3A_76 : i32
        scf.if %cond3A_77 {
          %ge3A = arith.constant 3 : i32
          %ge3A_78 = arith.cmpi sge, %add3A_72, %ge3A : i32
          %convert_element_type3A_79 = arith.extui %ge3A_78 : i1 to i32
          %cond3A_80 = arith.constant 0 : i32
          %cond3A_81 = arith.cmpi ne, %convert_element_type3A_79, %cond3A_80 : i32
          scf.if %cond3A_81 {
            %dma_wait3A_88 = arith.constant 0 : i32
            %dma_wait3A_89 = tpu.memref_slice %arg4[%mul3A_2, %dma_wait3A_88] : memref<32768x4096xf32, #tpu.memory_space<hbm>> -> memref<8x4096xf32, #tpu.memory_space<hbm>>
            %dma_wait3A_90 = arith.constant 0 : i32
            %dma_wait3A_91 = tpu.memref_slice %arg4[%mul3A_2, %dma_wait3A_90] : memref<32768x4096xf32, #tpu.memory_space<hbm>> -> memref<8x4096xf32, #tpu.memory_space<hbm>>
            tpu.wait_dma2 semaphore(%arg14 : memref<!tpu.dma_semaphore, #tpu.memory_space<semaphore_mem>>) src(%arg8 : memref<8x4096xf32, #tpu.memory_space<vmem>>) dst(%dma_wait3A_91 : memref<8x4096xf32, #tpu.memory_space<hbm>>)
          } else {
          }
          %dma_start3A_82 = arith.constant 0 : i32
          %dma_start3A_83 = tpu.memref_slice %arg5[%add3A_72, %dma_start3A_82] : memref<128x8xi32, #tpu.memory_space<vmem>> -> memref<1x8xi32, #tpu.memory_space<vmem>>
          %dma_start3A_84 = tpu.memref_squeeze %dma_start3A_83 : memref<1x8xi32, #tpu.memory_space<vmem>> -> memref<8xi32, #tpu.memory_space<vmem>>
          %dma_start3A_85 = arith.constant 0 : i32
          %dma_start3A_86 = arith.constant 0 : i32
          %dma_start3A_87 = tpu.memref_slice %arg3[%dma_start3A_85, %dma_start3A_86] : memref<100000x4096xf32, #tpu.memory_space<hbm>> -> memref<100000x4096xf32, #tpu.memory_space<hbm>>
          tpu.enqueue_indirect_dma source(%dma_start3A_87 : memref<100000x4096xf32, #tpu.memory_space<hbm>>) target(%arg8 : memref<8x4096xf32, #tpu.memory_space<vmem>>) offsets(%dma_start3A_84 : memref<8xi32, #tpu.memory_space<vmem>>) semaphore(%arg11 : memref<!tpu.dma_semaphore, #tpu.memory_space<semaphore_mem>>)
        } else {
        }
      } else {
      }
      %mul3A_39 = arith.constant 3 : i32
      %mul3A_40 = arith.muli %scan3A_32, %mul3A_39 : i32
      %add3A_41 = arith.constant 1 : i32
      %add3A_42 = arith.addi %mul3A_40, %add3A_41 : i32
      %lt3A_43 = arith.constant 128 : i32
      %lt3A_44 = arith.cmpi slt, %add3A_42, %lt3A_43 : i32
      %convert_element_type3A_45 = arith.extui %lt3A_44 : i1 to i32
      %cond3A_46 = arith.constant 0 : i32
      %cond3A_47 = arith.cmpi ne, %convert_element_type3A_45, %cond3A_46 : i32
      scf.if %cond3A_47 {
        %dma_wait3A_57 = arith.constant 0 : i32
        %dma_wait3A_58 = arith.constant 0 : i32
        %dma_wait3A_59 = tpu.memref_slice %arg5[%dma_wait3A_57, %dma_wait3A_58] : memref<128x8xi32, #tpu.memory_space<vmem>> -> memref<1x8xi32, #tpu.memory_space<vmem>>
        %dma_wait3A_60 = tpu.memref_squeeze %dma_wait3A_59 : memref<1x8xi32, #tpu.memory_space<vmem>> -> memref<8xi32, #tpu.memory_space<vmem>>
        %dma_wait3A_61 = arith.constant 0 : i32
        %dma_wait3A_62 = arith.constant 0 : i32
        %dma_wait3A_63 = tpu.memref_slice %arg3[%dma_wait3A_61, %dma_wait3A_62] : memref<100000x4096xf32, #tpu.memory_space<hbm>> -> memref<100000x4096xf32, #tpu.memory_space<hbm>>
        tpu.wait_indirect_dma semaphore(%arg10 : memref<!tpu.dma_semaphore, #tpu.memory_space<semaphore_mem>>) src(%dma_wait3A_63 : memref<100000x4096xf32, #tpu.memory_space<hbm>>) dst(%arg7 : memref<8x4096xf32, #tpu.memory_space<vmem>>)
        %mul3A_64 = arith.constant 8 : i32
        %mul3A_65 = arith.muli %add3A_42, %mul3A_64 : i32
        %add3A_66 = arith.addi %mul3A_2, %mul3A_65 : i32
        %dma_start3A_67 = arith.constant 0 : i32
        %dma_start3A_68 = tpu.memref_slice %arg4[%add3A_66, %dma_start3A_67] : memref<32768x4096xf32, #tpu.memory_space<hbm>> -> memref<8x4096xf32, #tpu.memory_space<hbm>>
        %dma_start3A_69 = arith.constant 0 : i32
        %dma_start3A_70 = tpu.memref_slice %arg4[%add3A_66, %dma_start3A_69] : memref<32768x4096xf32, #tpu.memory_space<hbm>> -> memref<8x4096xf32, #tpu.memory_space<hbm>>
        tpu.enqueue_dma source(%arg7 : memref<8x4096xf32, #tpu.memory_space<vmem>>) target(%dma_start3A_70 : memref<8x4096xf32, #tpu.memory_space<hbm>>) target_semaphore(%arg13 : memref<!tpu.dma_semaphore, #tpu.memory_space<semaphore_mem>>)
        %add3A_71 = arith.constant 2 : i32
        %add3A_72 = arith.addi %add3A_42, %add3A_71 : i32
        %lt3A_73 = arith.constant 128 : i32
        %lt3A_74 = arith.cmpi slt, %add3A_72, %lt3A_73 : i32
        %convert_element_type3A_75 = arith.extui %lt3A_74 : i1 to i32
        %cond3A_76 = arith.constant 0 : i32
        %cond3A_77 = arith.cmpi ne, %convert_element_type3A_75, %cond3A_76 : i32
        scf.if %cond3A_77 {
          %ge3A = arith.constant 3 : i32
          %ge3A_78 = arith.cmpi sge, %add3A_72, %ge3A : i32
          %convert_element_type3A_79 = arith.extui %ge3A_78 : i1 to i32
          %cond3A_80 = arith.constant 0 : i32
          %cond3A_81 = arith.cmpi ne, %convert_element_type3A_79, %cond3A_80 : i32
          scf.if %cond3A_81 {
            %dma_wait3A_88 = arith.constant 0 : i32
            %dma_wait3A_89 = tpu.memref_slice %arg4[%mul3A_2, %dma_wait3A_88] : memref<32768x4096xf32, #tpu.memory_space<hbm>> -> memref<8x4096xf32, #tpu.memory_space<hbm>>
            %dma_wait3A_90 = arith.constant 0 : i32
            %dma_wait3A_91 = tpu.memref_slice %arg4[%mul3A_2, %dma_wait3A_90] : memref<32768x4096xf32, #tpu.memory_space<hbm>> -> memref<8x4096xf32, #tpu.memory_space<hbm>>
            tpu.wait_dma2 semaphore(%arg12 : memref<!tpu.dma_semaphore, #tpu.memory_space<semaphore_mem>>) src(%arg6 : memref<8x4096xf32, #tpu.memory_space<vmem>>) dst(%dma_wait3A_91 : memref<8x4096xf32, #tpu.memory_space<hbm>>)
          } else {
          }
          %dma_start3A_82 = arith.constant 0 : i32
          %dma_start3A_83 = tpu.memref_slice %arg5[%add3A_72, %dma_start3A_82] : memref<128x8xi32, #tpu.memory_space<vmem>> -> memref<1x8xi32, #tpu.memory_space<vmem>>
          %dma_start3A_84 = tpu.memref_squeeze %dma_start3A_83 : memref<1x8xi32, #tpu.memory_space<vmem>> -> memref<8xi32, #tpu.memory_space<vmem>>
          %dma_start3A_85 = arith.constant 0 : i32
          %dma_start3A_86 = arith.constant 0 : i32
          %dma_start3A_87 = tpu.memref_slice %arg3[%dma_start3A_85, %dma_start3A_86] : memref<100000x4096xf32, #tpu.memory_space<hbm>> -> memref<100000x4096xf32, #tpu.memory_space<hbm>>
          tpu.enqueue_indirect_dma source(%dma_start3A_87 : memref<100000x4096xf32, #tpu.memory_space<hbm>>) target(%arg6 : memref<8x4096xf32, #tpu.memory_space<vmem>>) offsets(%dma_start3A_84 : memref<8xi32, #tpu.memory_space<vmem>>) semaphore(%arg9 : memref<!tpu.dma_semaphore, #tpu.memory_space<semaphore_mem>>)
        } else {
        }
      } else {
      }
      %mul3A_48 = arith.constant 3 : i32
      %mul3A_49 = arith.muli %scan3A_32, %mul3A_48 : i32
      %add3A_50 = arith.constant 2 : i32
      %add3A_51 = arith.addi %mul3A_49, %add3A_50 : i32
      %lt3A_52 = arith.constant 128 : i32
      %lt3A_53 = arith.cmpi slt, %add3A_51, %lt3A_52 : i32
      %convert_element_type3A_54 = arith.extui %lt3A_53 : i1 to i32
      %cond3A_55 = arith.constant 0 : i32
      %cond3A_56 = arith.cmpi ne, %convert_element_type3A_54, %cond3A_55 : i32
      scf.if %cond3A_56 {
        %dma_wait3A_57 = arith.constant 0 : i32
        %dma_wait3A_58 = arith.constant 0 : i32
        %dma_wait3A_59 = tpu.memref_slice %arg5[%dma_wait3A_57, %dma_wait3A_58] : memref<128x8xi32, #tpu.memory_space<vmem>> -> memref<1x8xi32, #tpu.memory_space<vmem>>
        %dma_wait3A_60 = tpu.memref_squeeze %dma_wait3A_59 : memref<1x8xi32, #tpu.memory_space<vmem>> -> memref<8xi32, #tpu.memory_space<vmem>>
        %dma_wait3A_61 = arith.constant 0 : i32
        %dma_wait3A_62 = arith.constant 0 : i32
        %dma_wait3A_63 = tpu.memref_slice %arg3[%dma_wait3A_61, %dma_wait3A_62] : memref<100000x4096xf32, #tpu.memory_space<hbm>> -> memref<100000x4096xf32, #tpu.memory_space<hbm>>
        tpu.wait_indirect_dma semaphore(%arg11 : memref<!tpu.dma_semaphore, #tpu.memory_space<semaphore_mem>>) src(%dma_wait3A_63 : memref<100000x4096xf32, #tpu.memory_space<hbm>>) dst(%arg8 : memref<8x4096xf32, #tpu.memory_space<vmem>>)
        %mul3A_64 = arith.constant 8 : i32
        %mul3A_65 = arith.muli %add3A_51, %mul3A_64 : i32
        %add3A_66 = arith.addi %mul3A_2, %mul3A_65 : i32
        %dma_start3A_67 = arith.constant 0 : i32
        %dma_start3A_68 = tpu.memref_slice %arg4[%add3A_66, %dma_start3A_67] : memref<32768x4096xf32, #tpu.memory_space<hbm>> -> memref<8x4096xf32, #tpu.memory_space<hbm>>
        %dma_start3A_69 = arith.constant 0 : i32
        %dma_start3A_70 = tpu.memref_slice %arg4[%add3A_66, %dma_start3A_69] : memref<32768x4096xf32, #tpu.memory_space<hbm>> -> memref<8x4096xf32, #tpu.memory_space<hbm>>
        tpu.enqueue_dma source(%arg8 : memref<8x4096xf32, #tpu.memory_space<vmem>>) target(%dma_start3A_70 : memref<8x4096xf32, #tpu.memory_space<hbm>>) target_semaphore(%arg14 : memref<!tpu.dma_semaphore, #tpu.memory_space<semaphore_mem>>)
        %add3A_71 = arith.constant 2 : i32
        %add3A_72 = arith.addi %add3A_51, %add3A_71 : i32
        %lt3A_73 = arith.constant 128 : i32
        %lt3A_74 = arith.cmpi slt, %add3A_72, %lt3A_73 : i32
        %convert_element_type3A_75 = arith.extui %lt3A_74 : i1 to i32
        %cond3A_76 = arith.constant 0 : i32
        %cond3A_77 = arith.cmpi ne, %convert_element_type3A_75, %cond3A_76 : i32
        scf.if %cond3A_77 {
          %ge3A = arith.constant 3 : i32
          %ge3A_78 = arith.cmpi sge, %add3A_72, %ge3A : i32
          %convert_element_type3A_79 = arith.extui %ge3A_78 : i1 to i32
          %cond3A_80 = arith.constant 0 : i32
          %cond3A_81 = arith.cmpi ne, %convert_element_type3A_79, %cond3A_80 : i32
          scf.if %cond3A_81 {
            %dma_wait3A_88 = arith.constant 0 : i32
            %dma_wait3A_89 = tpu.memref_slice %arg4[%mul3A_2, %dma_wait3A_88] : memref<32768x4096xf32, #tpu.memory_space<hbm>> -> memref<8x4096xf32, #tpu.memory_space<hbm>>
            %dma_wait3A_90 = arith.constant 0 : i32
            %dma_wait3A_91 = tpu.memref_slice %arg4[%mul3A_2, %dma_wait3A_90] : memref<32768x4096xf32, #tpu.memory_space<hbm>> -> memref<8x4096xf32, #tpu.memory_space<hbm>>
            tpu.wait_dma2 semaphore(%arg13 : memref<!tpu.dma_semaphore, #tpu.memory_space<semaphore_mem>>) src(%arg7 : memref<8x4096xf32, #tpu.memory_space<vmem>>) dst(%dma_wait3A_91 : memref<8x4096xf32, #tpu.memory_space<hbm>>)
          } else {
          }
          %dma_start3A_82 = arith.constant 0 : i32
          %dma_start3A_83 = tpu.memref_slice %arg5[%add3A_72, %dma_start3A_82] : memref<128x8xi32, #tpu.memory_space<vmem>> -> memref<1x8xi32, #tpu.memory_space<vmem>>
          %dma_start3A_84 = tpu.memref_squeeze %dma_start3A_83 : memref<1x8xi32, #tpu.memory_space<vmem>> -> memref<8xi32, #tpu.memory_space<vmem>>
          %dma_start3A_85 = arith.constant 0 : i32
          %dma_start3A_86 = arith.constant 0 : i32
          %dma_start3A_87 = tpu.memref_slice %arg3[%dma_start3A_85, %dma_start3A_86] : memref<100000x4096xf32, #tpu.memory_space<hbm>> -> memref<100000x4096xf32, #tpu.memory_space<hbm>>
          tpu.enqueue_indirect_dma source(%dma_start3A_87 : memref<100000x4096xf32, #tpu.memory_space<hbm>>) target(%arg7 : memref<8x4096xf32, #tpu.memory_space<vmem>>) offsets(%dma_start3A_84 : memref<8xi32, #tpu.memory_space<vmem>>) semaphore(%arg10 : memref<!tpu.dma_semaphore, #tpu.memory_space<semaphore_mem>>)
        } else {
        }
      } else {
      }
    }
    %scan3A_20 = arith.constant 43 : i32
    %dma_wait3A = arith.constant 0 : i32
    %dma_wait3A_21 = tpu.memref_slice %arg4[%mul3A_2, %dma_wait3A] : memref<32768x4096xf32, #tpu.memory_space<hbm>> -> memref<8x4096xf32, #tpu.memory_space<hbm>>
    %dma_wait3A_22 = arith.constant 0 : i32
    %dma_wait3A_23 = tpu.memref_slice %arg4[%mul3A_2, %dma_wait3A_22] : memref<32768x4096xf32, #tpu.memory_space<hbm>> -> memref<8x4096xf32, #tpu.memory_space<hbm>>
    tpu.wait_dma2 semaphore(%arg12 : memref<!tpu.dma_semaphore, #tpu.memory_space<semaphore_mem>>) src(%arg6 : memref<8x4096xf32, #tpu.memory_space<vmem>>) dst(%dma_wait3A_23 : memref<8x4096xf32, #tpu.memory_space<hbm>>)
    %dma_wait3A_24 = arith.constant 0 : i32
    %dma_wait3A_25 = tpu.memref_slice %arg4[%mul3A_2, %dma_wait3A_24] : memref<32768x4096xf32, #tpu.memory_space<hbm>> -> memref<8x4096xf32, #tpu.memory_space<hbm>>
    %dma_wait3A_26 = arith.constant 0 : i32
    %dma_wait3A_27 = tpu.memref_slice %arg4[%mul3A_2, %dma_wait3A_26] : memref<32768x4096xf32, #tpu.memory_space<hbm>> -> memref<8x4096xf32, #tpu.memory_space<hbm>>
    tpu.wait_dma2 semaphore(%arg13 : memref<!tpu.dma_semaphore, #tpu.memory_space<semaphore_mem>>) src(%arg7 : memref<8x4096xf32, #tpu.memory_space<vmem>>) dst(%dma_wait3A_27 : memref<8x4096xf32, #tpu.memory_space<hbm>>)
    %dma_wait3A_28 = arith.constant 0 : i32
    %dma_wait3A_29 = tpu.memref_slice %arg4[%mul3A_2, %dma_wait3A_28] : memref<32768x4096xf32, #tpu.memory_space<hbm>> -> memref<8x4096xf32, #tpu.memory_space<hbm>>
    %dma_wait3A_30 = arith.constant 0 : i32
    %dma_wait3A_31 = tpu.memref_slice %arg4[%mul3A_2, %dma_wait3A_30] : memref<32768x4096xf32, #tpu.memory_space<hbm>> -> memref<8x4096xf32, #tpu.memory_space<hbm>>
    tpu.wait_dma2 semaphore(%arg14 : memref<!tpu.dma_semaphore, #tpu.memory_space<semaphore_mem>>) src(%arg8 : memref<8x4096xf32, #tpu.memory_space<vmem>>) dst(%dma_wait3A_31 : memref<8x4096xf32, #tpu.memory_space<hbm>>)
    return
  }
}

</mosaic_0001>

<sc_bundles>
// kernel: kernel.3.cloned.1.call-start
scs
__scs_entry_jumppad:
0x0: {  	(pc) =	sbr.rel $0x88, $3  }
0x1: {  	(tag) =	ssettag $0x0;
	lr =	simm.s32 $0x1  }
0x2: {  	[smem:$0x3F9F] =	sst lr;
	_ =	strace $0xD0000000  }
0x3: {  	_ = 	snop  }
0x4: {  	_ = 	snop  }
0x5: {  	_ = 	snop  }
0x6: {  	_ = 	snop  }
0x7: {  	_ = 	snop  }
__scs_overlays_trampoline_lowered:
0x8: {  	[smem:$0x3FAE] =	sst s0  }
0x9: {  	[smem:$0x3FAF] =	sst s1  }
0xa: {  	[smem:$0x3FB0] =	sst s2  }
0xb: {  	[smem:$0x3FB1] =	sst s3  }
0xc: {  	[smem:$0x3FB2] =	sst s4  }
0xd: {  	[smem:$0x3FB3] =	sst s5  }
0xe: {  	[smem:$0x3FB4] =	sst s6  }
0xf: {  	[smem:$0x3FB5] =	sst s7  }
0x10: {  	[smem:$0x3FB6] =	sst s8  }
0x11: {  	[smem:$0x3FB7] =	sst s9;
	s0 =	simm.s32 @!p0 $0x0  }
0x12: {  	s1 =	sld [smem:$0x3F9D];
	s0 =	simm.s32 @p0 $0x1  }
0x13: {  	[smem:$0x3FB8] =	sst s0;
	s0 =	simm.s32 @!p1 $0x0  }
0x14: {  	s2 =	sld [smem:$0x3F9C];
	s0 =	simm.s32 @p1 $0x1  }
0x15: {  	[smem:$0x3FB9] =	sst s0;
	s0 =	simm.s32 @!p2 $0x0  }
0x16: {  	s3 =	sld [smem:$0x3FDB];
	s0 =	simm.s32 @p2 $0x1  }
0x17: {  	s4 =	simm.s32 $0x1BF5;
	[smem:$0x3FBB] =	sst s0  }
0x18: {  	s0 =	sld [smem:$0x3F9E];
	_ =	swait.ge [sflag:s4], $0x0  }
0x19: {  	s7 =	sld [smem:$0x3F9F]  }
0x1a: {  	s8 =	sadd.s32 $0xFFFFE003, lr  }
0x1b: {  	s9 =	sadd.s32 $0xFFFFFEF7, lr;
	s5 =	simm.s32 $0xFFFFFFFF;
	p2 =	slt.u32 s8, $0xFFFFF086  }
0x1c: {  	p1 =	slt.u32 s9, $0xF7A;
	s5 =	simm.s32 @!p2 $0x0  }
0x1d: {  	s5 =	simm.s32 @p1 $0x1;
	p0 =	seq.s32 s7, s2  }
0x1e: {  	s7 =	smul.u32 @!p0 $0xF7A, s2;
	p2 =	seq.s32 @!p0 s5, $0x0  }
0x1f: {  	s9 =	smul.u32 $0xF7A, s1;
	s8 =	simm.s32 @!p0 $0x1BF5;
	p2 =	por !p2, p0  }
0x20: {  	[sflag:s8] =	ssyncset.s32 @!p0 $0xFFFFF086;
	s6 =	sadd.s32 @!p0 s3, s7;
	s7 =	simm.s32 @!p0 $0x108  }
0x21: {  	s3 =	sadd.s32 s3, s9;
	s6 =	sadd.s32 @!p0 $0x88, s6;
	s7 =	simm.s32 @p2 $0x1082  }
0x22: {  	[simem:s7], [sflag:s8] =	dma.local @!p0 [hbm:s6], $0xF7A  }
0x23: {  	s9 =	sor.u32 $0xD0000000, s2;
	s6 =	simm.s32 $0x108;
	_ =	swait.ge @!p0 [sflag:s8], $0x0  }
0x24: {  	s3 =	sadd.s32 $0x88, s3;
	s6 =	simm.s32 @!p1 $0x1082;
	[sflag:s4] =	ssyncset.s32 $0xFFFFF086  }
0x25: {  	[simem:s6], [sflag:s4] =	dma.local [hbm:s3], $0xF7A  }
0x26: {  	[smem:$0x3F9F] =	sst s1;
	(tag) =	ssettag s2;
	_ =	strace s9  }
0x27: {  	s1 =	sld [smem:$0x3FAF]  }
0x28: {  	s2 =	sld [smem:$0x3FB0]  }
0x29: {  	s4 =	sld [smem:$0x3FB2]  }
0x2a: {  	p0 =	seq.s32 s5, $0x0;
	s5 =	sld [smem:$0x3FB3]  }
0x2b: {  	s6 =	sld [smem:$0x3FB4]  }
0x2c: {  	s7 =	sld [smem:$0x3FB5]  }
0x2d: {  	s3 =	simm.s32 $0x108;
	s8 =	sld [smem:$0x3FB6]  }
0x2e: {  	s3 =	simm.s32 @!p0 $0x1082;
	s9 =	sld [smem:$0x3FB7]  }
0x2f: {  	lr =	sadd.s32 s0, s3;
	s0 =	sld [smem:$0x3FAE]  }
0x30: {  	s3 =	sld [smem:$0x3FB1]  }
0x31: {  	[smem:$0x3FBA] =	sst s10  }
0x32: {  	s10 =	sld [smem:$0x3FB8];
	_ =	sdelay $0x3  }
0x33: {  	p0 =	seq.s32 s10, $0x1;
	s10 =	sld [smem:$0x3FBA];
	_ =	sdelay $0x3  }
0x34: {  	[smem:$0x3FBA] =	sst s10  }
0x35: {  	s10 =	sld [smem:$0x3FB9];
	_ =	sdelay $0x3  }
0x36: {  	p1 =	seq.s32 s10, $0x1;
	s10 =	sld [smem:$0x3FBA];
	_ =	sdelay $0x3  }
0x37: {  	[smem:$0x3FBA] =	sst s10  }
0x38: {  	s10 =	sld [smem:$0x3FBB]  }
0x39: {  	_ = 	snop;
	(pc) =	sbr.ind lr, $3  }
0x3a: {  	_ = 	snop  }
0x3b: {  	_ = 	snop  }
0x3c: {  	p2 =	seq.s32 s10, $0x1;
	s10 =	sld [smem:$0x3FBA]  }
0x3d: {  	_ =	shalt  }
0x3e: {  	_ =	shalt  }
0x3f: {  	_ =	shalt  }
0x40: {  	_ =	shalt  }
0x41: {  	_ =	shalt  }
0x42: {  	_ =	shalt  }
0x43: {  	_ =	shalt  }
0x44: {  	_ =	shalt  }
0x45: {  	_ =	shalt  }
0x46: {  	_ =	shalt  }
0x47: {  	_ =	shalt  }
0x48: {  	_ =	shalt  }
0x49: {  	_ =	shalt  }
0x4a: {  	_ =	shalt  }
0x4b: {  	_ =	shalt  }
0x4c: {  	_ =	shalt  }
0x4d: {  	_ =	shalt  }
0x4e: {  	_ =	shalt  }
0x4f: {  	_ =	shalt  }
0x50: {  	_ =	shalt  }
0x51: {  	_ =	shalt  }
0x52: {  	_ =	shalt  }
0x53: {  	_ =	shalt  }
0x54: {  	_ =	shalt  }
0x55: {  	_ =	shalt  }
0x56: {  	_ =	shalt  }
0x57: {  	_ =	shalt  }
0x58: {  	_ =	shalt  }
0x59: {  	_ =	shalt  }
0x5a: {  	_ =	shalt  }
0x5b: {  	_ =	shalt  }
0x5c: {  	_ =	shalt  }
0x5d: {  	_ =	shalt  }
0x5e: {  	_ =	shalt  }
0x5f: {  	_ =	shalt  }
0x60: {  	_ =	shalt  }
0x61: {  	_ =	shalt  }
0x62: {  	_ =	shalt  }
0x63: {  	_ =	shalt  }
0x64: {  	_ =	shalt  }
0x65: {  	_ =	shalt  }
0x66: {  	_ =	shalt  }
0x67: {  	_ =	shalt  }
0x68: {  	_ =	shalt  }
0x69: {  	_ =	shalt  }
0x6a: {  	_ =	shalt  }
0x6b: {  	_ =	shalt  }
0x6c: {  	_ =	shalt  }
0x6d: {  	_ =	shalt  }
0x6e: {  	_ =	shalt  }
0x6f: {  	_ =	shalt  }
0x70: {  	_ =	shalt  }
0x71: {  	_ =	shalt  }
0x72: {  	_ =	shalt  }
0x73: {  	_ =	shalt  }
0x74: {  	_ =	shalt  }
0x75: {  	_ =	shalt  }
0x76: {  	_ =	shalt  }
0x77: {  	_ =	shalt  }
0x78: {  	_ =	shalt  }
0x79: {  	_ =	shalt  }
0x7a: {  	_ =	shalt  }
0x7b: {  	_ =	shalt  }
0x7c: {  	_ =	shalt  }
0x7d: {  	_ =	shalt  }
0x7e: {  	_ =	shalt  }
0x7f: {  	_ =	shalt  }
0x80: {  	_ =	shalt  }
0x81: {  	_ =	shalt  }
0x82: {  	_ =	shalt  }
0x83: {  	_ =	shalt  }
0x84: {  	_ =	shalt  }
0x85: {  	_ =	shalt  }
0x86: {  	_ =	shalt  }
0x87: {  	_ =	shalt  }
.Lfunc_end0:
.L_simem_size_0:
called_computation_lowered:
.L_overlay_start_0:
0x88: {  	s2 =	sld [smem:$0x3FD9]  }
0x89: {  	s3 =	sld [smem:$0x3FFE];
	_ =	sdelay $0x1  }
0x8a: {  	s1 =	srdreg.scid  }
0x8b: {  	s0 =	sand.u32 $0x1, s1  }
0x8c: {  	s17 =	sshll.u32 s0, $0xA;
	s2 =	sadd.s32 s3, s2  }
0x8d: {  	s2 =	sadd.s32 s2, s17  }
0x8e: {  	[smem:$0x3FC6] =	sst s2  }
0x8f: {  	_ = 	snop  }
0x90: {  	s2 =	sld [smem:$0x3FC8]  }
0x91: {  	s18 =	sld [smem:$0x3FD0];
	(tm) =	ssettm $0x1  }
0x92: {  	s4 =	sld [smem:$0x3FFB];
	_ =	sdelay $0x3  }
0x93: {  	_ =	strace s4  }
0x94: {  	s4 =	sld [smem:$0x3FFC];
	_ =	sdelay $0x3  }
0x95: {  	_ =	strace s4  }
0x96: {  	s4 =	sld [smem:$0x3FFD];
	_ =	sdelay $0x3  }
0x97: {  	_ =	strace s4  }
0x98: {  	_ =	strace $0x8FFFFFFF  }
0x99: {  	s19 =	sld [smem:$0x3FDB];
	_ =	sdelay $0x1  }
0x9a: {  	s5 =	simm.s32 $_scs_section_size  }
0x9b: {  	s6 =	simm.s32 $_size__tile_overlayer_lowered;
	s7 =	simm.s32 $_tile_overlayer_lowered  }
0x9c: {  	s22 =	simm.s32 $0x1BFF;
	s21 =	sshll.u32 s7, $0x1;
	s4 =	sadd.s32 s5, s19  }
0x9d: {  	s8 =	simm.s32 $0x0;
	s20 =	sshll.u32 s6, $0x1;
	s6 =	sadd.s32 s21, s4  }
0x9e: {  	[timem:s8], [sflag:s22] =	dma.local [hbm:s6], s20  }
0x9f: {  	_ =	swait.ge [sflag:s22], s20  }
0xa0: {  	s5 =	ssub.s32 $0x0, s20;
	[sflag:s22] =	ssyncset.done $0x0  }
0xa1: {  	[sflag:s22] =	ssyncadd.s32 s5;
	_ =	sdelay $0x1  }
0xa2: {  	s23 =	simm.s32 $0x1B8B  }
0xa3: {  	_ =	swait.ge [sflag:s23], $0x1  }
0xa4: {  	[sflag:s23] =	ssyncset.done $0x0  }
0xa5: {  	s25 =	simm.s32 $0x1B8E;
	s24 =	sld [smem:$0x3FFE];
	[sflag:s23] =	ssyncadd.s32 $0xFFFFFFFF  }
0xa6: {  	s26 =	simm.s32 $execute0_lowered;
	[smem:$0x3FD2] =	sst s25  }
0xa7: {  	s6 =	sshll.u32 s26, $0x1;
	_ =	strace $0x80000046;
	[dreg:$0x1] =	wrdreg $0xFFFFFFFF  }
0xa8: {  	s28 =	simm.s32 $_size_execute0_lowered;
	s4 =	sadd.s32 s4, s6;
	[dreg:$0x0] =	wrdreg $0x0  }
0xa9: {  	s6 =	sshll.u32 s28, $0x1;
	[dreg:$0x2] =	wrdreg s4  }
0xaa: {  	[dreg:$0x3] =	wrdreg s6  }
0xab: {  	[dreg:$0x4] =	wrdreg $0xC0  }
0xac: {  	_ =	task [dreg:s8], $0x5FFFF  }
0xad: {  	[dreg:$0x1] =	wrdreg $0xFFFFFFFF  }
0xae: {  	[dreg:$0x0] =	wrdreg $0x60  }
0xaf: {  	[dreg:$0x2] =	wrdreg s24  }
0xb0: {  	[dreg:$0x3] =	wrdreg s2  }
0xb1: {  	[dreg:$0x4] =	wrdreg s18  }
0xb2: {  	[dreg:$0x5] =	wrdreg $0x9  }
0xb3: {  	_ =	task.clear_ibuf [dreg:s8], $0x6FFFF;
	_ =	strace $0x90000046  }
0xb4: {  	s29 =	simm.s32 $0x9;
	_ =	strace $0x80000048  }
0xb5: {  	_ =	swait.ge [sflag:s29], $0x1  }
0xb6: {  	[sflag:s29] =	ssyncadd.s32 $0xFFFFFFFF  }
0xb7: {  	_ =	strace $0x90000048  }
0xb8: {  	_ =	sfence  }
0xb9: {  	s30 =	sld [smem:$0x0];
	_ =	sdelay $0x2  }
0xba: {  	s31 =	sshll.u32 s1, $0xD;
	s1 =	sshrl.u32 s1, $0x2  }
0xbb: {  	s3 =	sand.u32 $0x4000, s31;
	s1 =	sadd.s32 s1, s30  }
0xbc: {  	s0 =	sor.u32 s3, s0;
	s1 =	sshll.u32 s1, $0x11  }
0xbd: {  	s0 =	sor.u32 s1, s0  }
0xbe: {  	s0 =	sadd.s32 $0x8F2B, s0  }
0xbf: {  	[sflag:s0] =	ssyncadd.remote.s32 $0x1  }
0xc0: {  	_ =	sfence.sel $0xFFFF  }
0xc1: {  	[dreg:$0x0] =	wrdreg $0xFFFFFFFF;
	(pc) =	sbr.abs _section_cstart, $3  }
0xc2: {  	[dreg:$0x1] =	wrdreg $0xFFFFFFFF  }
0xc3: {  	_ =	task.clear_ibuf [dreg:s8], $0x2FFFF;
	_ =	strace $0x9FFFFFFF  }
0xc4: {  	(tm) =	ssettm $0x7FFFFFFF  }
0xc5: {  	_ =	shalt  }
tec
execute0_lowered:
.L_overlay_start_1:
0x0: {  	(tag) =	ssettag $0x1  }
0x1: {  	s0 =	rddreg [dreg:$0x0]  }
0x2: {  	s2 =	rddreg [dreg:$0x1]  }
0x3: {  	s1 =	rddreg [dreg:$0x2];
	s3 =	srdreg.scid  }
0x4: {  	s21 =	stileid.u32;
	s23 =	simm.s32 $0x4000;
	s28 =	simm.s32 $0xC000  }
0x5: {  	s22 =	simm.s32 $0x4;
	s24 =	simm.s32 $0x5;
	s29 =	simm.s32 $0x0  }
0x6: {  	s4 =	sand.u32 $0x1, s3;
	s3 =	simm.s32 $0x0;
	s5 =	sshll.u32 s21, $0xC  }
0x7: {  	s7 =	sadd.s32 $0x300, s2;
	s8 =	sadd.s32 $0x400, s2;
	s9 =	sadd.s32 $0x500, s2  }
0x8: {  	s10 =	sadd.s32 $0x600, s2;
	s11 =	sadd.s32 $0x700, s2;
	s12 =	sadd.s32 $0x800, s2  }
0x9: {  	s13 =	sadd.s32 $0x900, s2;
	s14 =	sadd.s32 $0xA00, s2;
	s15 =	sadd.s32 $0xB00, s2  }
0xa: {  	s16 =	sadd.s32 $0xC00, s2;
	s17 =	sadd.s32 $0xD00, s2;
	s18 =	sadd.s32 $0xE00, s2  }
0xb: {  	s19 =	sadd.s32 $0xF00, s2;
	s30 =	sshll.u32 s21, $0x14;
	s6 =	sshll.u32 s4, $0xB  }
0xc: {  	[smem:$0x7FF] =	sst s3;
	s25 =	ssub.s32 $0x2, s4;
	s31 =	sshll.u32 s4, $0x13  }
0xd: {  	s4 =	simm.s32 $0x14000;
	s5 =	sor.u32 s6, s5;
	_ =	strace $0x80000047  }
.Ltmp0:
0xe: {  	s26 =	sshrl.u32 s25, $0x1;
	s0 =	sadd.s32 s5, s0;
	(pc) =	sbr.rel .LBB2_1-.Ltmp0, $4  }
0xf: {  	s6 =	sadd.s32 $0x200, s2;
	s20 =	ssub.s32 s25, s26;
	s0 =	sadd.s32 $0x400, s0  }
0x10: {  	v0 =	vlaneseq.u32;
	s5 =	sadd.s32 $0x100, s2;
	s20 =	smax.u32 s20, $0x1;
	[dreg:$0x4] =	wrdreg s0  }
0x11: {  	v1 =	vshrl.u32 v0, $0x3;
	s26 =	simm.s32 $0x3;
	[dreg:$0x5] =	wrdreg s20;
	s0 =	sadd.s32 s30, s1  }
0x12: {  	vm0 =	vmmov $0xffff;
	v0 =	vand.u32 $0x7, v0;
	v1 =	vmul.u32 $0x8, v1;
	s1 =	simm.s32 $0x1;
	s20 =	simm.s32 $0x2;
	s21 =	sadd.s32 s31, s0  }
.LBB2_8:
0x13: {  	_ =	swait.ge [sflag:s24], $0x8000  }
0x14: {  	[sflag:s24] =	ssyncset.done $0x0  }
0x15: {  	s25 =	simm.s32 $0x6;
	[sflag:s24] =	ssyncadd.s32 $0xFFFF8000  }
0x16: {  	_ =	swait.ge [sflag:s25], $0x8000  }
0x17: {  	s29 =	rddreg [dreg:$0x6]  }
0x18: {  	s0 =	rddreg [dreg:$0x5];
	s29 =	sadd.s32 $0x1, s29  }
0x19: {  	p0 =	sne.s32 s29, s0  }
.Ltmp1:
0x1a: {  	_ = 	snop;
	(pc) =	sbr.rel @!p0 .LBB2_9-.Ltmp1, $3  }
0x1b: {  	_ =	sdelay $0x1  }
0x1c: {  	[sflag:s25] =	ssyncset.done $0x0  }
0x1d: {  	[sflag:s25] =	ssyncadd.s32 $0xFFFF8000  }
.LBB2_1:
0x1e: {  	[dreg:$0x6] =	wrdreg s29  }
0x1f: {  	s0 =	rddreg [dreg:$0x4];
	s25 =	simm.s32 $0x7  }
0x20: {  	[tilespmem:s3], [sflag:$0x7] =	stream.linear.gather [hbm4b:s0+s3], $0x4000, $0x38;
	[tilespmem:$0x1C000] =	vst v63  }
0x21: {  	_ =	swait.ge [sflag:s25], $0x4000  }
0x22: {  	[sflag:s25] =	ssyncset.done $0x0  }
0x23: {  	[sflag:s25] =	ssyncadd.s32 $0xFFFFC000  }
0x24: {  	v2 =	vld.msk [tilespmem:$0x0], $0xff;
	_ =	sdelay $0x4  }
0x25: {  	v3 =	vshll.u32 v2, $0x5  }
0x26: {  	v2 =	vand.u32 $0x7, v2;
	v3 =	vand.u32 $0xFFFFFF00, v3  }
0x27: {  	v2 =	vor.u32 v2, v3  }
0x28: {  	v2 =	vperm.xlane v2, v0;
	_ =	sdelay $0x1  }
0x29: {  	v2 =	vadd.s32 v1, v2;
	_ =	sdelay $0x4  }
0x2a: {  	[tilespmem:s23], [sflag:$0x1] =	stream.indirect_vreg.gather [hbm4b:s2+s3], $0x80, v2, vm0, $0xb8;
	[tilespmem:$0x1C000] =	vst v63  }
0x2b: {  	s25 =	simm.s32 $0x4800  }
0x2c: {  	[tilespmem:s25], [sflag:$0x1] =	stream.indirect_vreg.gather [hbm4b:s5+s3], $0x80, v2, vm0, $0xb8;
	[tilespmem:$0x1C000] =	vst v63  }
0x2d: {  	s25 =	simm.s32 $0x5000  }
0x2e: {  	[tilespmem:s25], [sflag:$0x1] =	stream.indirect_vreg.gather [hbm4b:s6+s3], $0x80, v2, vm0, $0xb8;
	[tilespmem:$0x1C000] =	vst v63  }
0x2f: {  	s25 =	simm.s32 $0x5800  }
0x30: {  	[tilespmem:s25], [sflag:$0x1] =	stream.indirect_vreg.gather [hbm4b:s7+s3], $0x80, v2, vm0, $0xb8;
	[tilespmem:$0x1C000] =	vst v63  }
0x31: {  	s25 =	simm.s32 $0x6000  }
0x32: {  	[tilespmem:s25], [sflag:$0x1] =	stream.indirect_vreg.gather [hbm4b:s8+s3], $0x80, v2, vm0, $0xb8;
	[tilespmem:$0x1C000] =	vst v63  }
0x33: {  	s25 =	simm.s32 $0x6800  }
0x34: {  	[tilespmem:s25], [sflag:$0x1] =	stream.indirect_vreg.gather [hbm4b:s9+s3], $0x80, v2, vm0, $0xb8;
	[tilespmem:$0x1C000] =	vst v63  }
0x35: {  	s25 =	simm.s32 $0x7000  }
0x36: {  	[tilespmem:s25], [sflag:$0x1] =	stream.indirect_vreg.gather [hbm4b:s10+s3], $0x80, v2, vm0, $0xb8;
	[tilespmem:$0x1C000] =	vst v63  }
0x37: {  	s25 =	simm.s32 $0x7800  }
0x38: {  	[tilespmem:s25], [sflag:$0x1] =	stream.indirect_vreg.gather [hbm4b:s11+s3], $0x80, v2, vm0, $0xb8;
	[tilespmem:$0x1C000] =	vst v63  }
0x39: {  	s25 =	simm.s32 $0x8000  }
0x3a: {  	[tilespmem:s25], [sflag:$0x1] =	stream.indirect_vreg.gather [hbm4b:s12+s3], $0x80, v2, vm0, $0xb8;
	[tilespmem:$0x1C000] =	vst v63  }
0x3b: {  	s25 =	simm.s32 $0x8800  }
0x3c: {  	[tilespmem:s25], [sflag:$0x1] =	stream.indirect_vreg.gather [hbm4b:s13+s3], $0x80, v2, vm0, $0xb8;
	[tilespmem:$0x1C000] =	vst v63  }
0x3d: {  	s25 =	simm.s32 $0x9000  }
0x3e: {  	[tilespmem:s25], [sflag:$0x1] =	stream.indirect_vreg.gather [hbm4b:s14+s3], $0x80, v2, vm0, $0xb8;
	[tilespmem:$0x1C000] =	vst v63  }
0x3f: {  	s25 =	simm.s32 $0x9800  }
0x40: {  	[tilespmem:s25], [sflag:$0x1] =	stream.indirect_vreg.gather [hbm4b:s15+s3], $0x80, v2, vm0, $0xb8;
	[tilespmem:$0x1C000] =	vst v63  }
0x41: {  	s25 =	simm.s32 $0xA000  }
0x42: {  	[tilespmem:s25], [sflag:$0x1] =	stream.indirect_vreg.gather [hbm4b:s16+s3], $0x80, v2, vm0, $0xb8;
	[tilespmem:$0x1C000] =	vst v63  }
0x43: {  	s25 =	simm.s32 $0xA800  }
0x44: {  	[tilespmem:s25], [sflag:$0x1] =	stream.indirect_vreg.gather [hbm4b:s17+s3], $0x80, v2, vm0, $0xb8;
	[tilespmem:$0x1C000] =	vst v63  }
0x45: {  	s25 =	simm.s32 $0xB000  }
0x46: {  	[tilespmem:s25], [sflag:$0x1] =	stream.indirect_vreg.gather [hbm4b:s18+s3], $0x80, v2, vm0, $0xb8;
	[tilespmem:$0x1C000] =	vst v63  }
0x47: {  	s25 =	simm.s32 $0xB800  }
0x48: {  	[tilespmem:s25], [sflag:$0x1] =	stream.indirect_vreg.gather [hbm4b:s19+s3], $0x80, v2, vm0, $0xb8;
	[tilespmem:$0x1C000] =	vst v63  }
0x49: {  	v2 =	vld.msk [tilespmem:$0x80], $0xff;
	_ =	sdelay $0x4  }
0x4a: {  	v3 =	vshll.u32 v2, $0x5  }
0x4b: {  	v2 =	vand.u32 $0x7, v2;
	v3 =	vand.u32 $0xFFFFFF00, v3  }
0x4c: {  	v2 =	vor.u32 v2, v3  }
0x4d: {  	v2 =	vperm.xlane v2, v0;
	_ =	sdelay $0x1  }
0x4e: {  	v2 =	vadd.s32 v1, v2;
	_ =	sdelay $0x4  }
0x4f: {  	[tilespmem:s28], [sflag:$0x2] =	stream.indirect_vreg.gather [hbm4b:s2+s3], $0x80, v2, vm0, $0xb8;
	[tilespmem:$0x1C000] =	vst v63  }
0x50: {  	s25 =	simm.s32 $0xC800  }
0x51: {  	[tilespmem:s25], [sflag:$0x2] =	stream.indirect_vreg.gather [hbm4b:s5+s3], $0x80, v2, vm0, $0xb8;
	[tilespmem:$0x1C000] =	vst v63  }
0x52: {  	s25 =	simm.s32 $0xD000  }
0x53: {  	[tilespmem:s25], [sflag:$0x2] =	stream.indirect_vreg.gather [hbm4b:s6+s3], $0x80, v2, vm0, $0xb8;
	[tilespmem:$0x1C000] =	vst v63  }
0x54: {  	s25 =	simm.s32 $0xD800  }
0x55: {  	[tilespmem:s25], [sflag:$0x2] =	stream.indirect_vreg.gather [hbm4b:s7+s3], $0x80, v2, vm0, $0xb8;
	[tilespmem:$0x1C000] =	vst v63  }
0x56: {  	s25 =	simm.s32 $0xE000  }
0x57: {  	[tilespmem:s25], [sflag:$0x2] =	stream.indirect_vreg.gather [hbm4b:s8+s3], $0x80, v2, vm0, $0xb8;
	[tilespmem:$0x1C000] =	vst v63  }
0x58: {  	s25 =	simm.s32 $0xE800  }
0x59: {  	[tilespmem:s25], [sflag:$0x2] =	stream.indirect_vreg.gather [hbm4b:s9+s3], $0x80, v2, vm0, $0xb8;
	[tilespmem:$0x1C000] =	vst v63  }
0x5a: {  	s25 =	simm.s32 $0xF000  }
0x5b: {  	[tilespmem:s25], [sflag:$0x2] =	stream.indirect_vreg.gather [hbm4b:s10+s3], $0x80, v2, vm0, $0xb8;
	[tilespmem:$0x1C000] =	vst v63  }
0x5c: {  	s25 =	simm.s32 $0xF800  }
0x5d: {  	[tilespmem:s25], [sflag:$0x2] =	stream.indirect_vreg.gather [hbm4b:s11+s3], $0x80, v2, vm0, $0xb8;
	[tilespmem:$0x1C000] =	vst v63  }
0x5e: {  	s25 =	simm.s32 $0x10000  }
0x5f: {  	[tilespmem:s25], [sflag:$0x2] =	stream.indirect_vreg.gather [hbm4b:s12+s3], $0x80, v2, vm0, $0xb8;
	[tilespmem:$0x1C000] =	vst v63  }
0x60: {  	s25 =	simm.s32 $0x10800  }
0x61: {  	[tilespmem:s25], [sflag:$0x2] =	stream.indirect_vreg.gather [hbm4b:s13+s3], $0x80, v2, vm0, $0xb8;
	[tilespmem:$0x1C000] =	vst v63  }
0x62: {  	s25 =	simm.s32 $0x11000  }
0x63: {  	[tilespmem:s25], [sflag:$0x2] =	stream.indirect_vreg.gather [hbm4b:s14+s3], $0x80, v2, vm0, $0xb8;
	[tilespmem:$0x1C000] =	vst v63  }
0x64: {  	s25 =	simm.s32 $0x11800  }
0x65: {  	[tilespmem:s25], [sflag:$0x2] =	stream.indirect_vreg.gather [hbm4b:s15+s3], $0x80, v2, vm0, $0xb8;
	[tilespmem:$0x1C000] =	vst v63  }
0x66: {  	s25 =	simm.s32 $0x12000  }
0x67: {  	[tilespmem:s25], [sflag:$0x2] =	stream.indirect_vreg.gather [hbm4b:s16+s3], $0x80, v2, vm0, $0xb8;
	[tilespmem:$0x1C000] =	vst v63  }
0x68: {  	s25 =	simm.s32 $0x12800  }
0x69: {  	[tilespmem:s25], [sflag:$0x2] =	stream.indirect_vreg.gather [hbm4b:s17+s3], $0x80, v2, vm0, $0xb8;
	[tilespmem:$0x1C000] =	vst v63  }
0x6a: {  	s29 =	simm.s32 $0x200;
	s25 =	simm.s32 $0x13000  }
0x6b: {  	[tilespmem:s25], [sflag:$0x2] =	stream.indirect_vreg.gather [hbm4b:s18+s3], $0x80, v2, vm0, $0xb8;
	[tilespmem:$0x1C000] =	vst v63  }
0x6c: {  	s30 =	simm.s32 $0x0;
	s31 =	simm.s32 $0x0;
	s25 =	simm.s32 $0x13800  }
0x6d: {  	[tilespmem:s25], [sflag:$0x2] =	stream.indirect_vreg.gather [hbm4b:s19+s3], $0x80, v2, vm0, $0xb8;
	[tilespmem:$0x1C000] =	vst v63  }
.LBB2_2:
0x6e: {  	p0 =	seq.s32 s31, $0x0  }
.Ltmp2:
0x6f: {  	_ = 	snop;
	(pc) =	sbr.rel @p0 .LBB2_5-.Ltmp2, $4  }
0x70: {  	_ =	swait.ge [sflag:s1], $0x8000  }
0x71: {  	[sflag:s1] =	ssyncset.done $0x0  }
0x72: {  	s0 =	sadd.s32 s30, s21;
	[sflag:s1] =	ssyncadd.s32 $0xFFFF8000  }
0x73: {  	[hbm4b:s0+s3] =	stream.linear.scatter [tilespmem:s23], [sflag:$0x4], $0x8000, $0x38;
	[tilespmem:$0x1C000] =	vst v63  }
0x74: {  	p0 =	seq.s32 s31, $0x2A  }
.Ltmp3:
0x75: {  	_ = 	snop;
	(pc) =	sbr.rel @p0 .LBB2_6-.Ltmp3, $1  }
0x76: {  	_ =	sdelay $0x3  }
0x77: {  	s25 =	simm.s32 $0x6  }
0x78: {  	_ =	swait.ge [sflag:s25], $0x8000  }
0x79: {  	[sflag:s25] =	ssyncset.done $0x0  }
0x7a: {  	[sflag:s25] =	ssyncadd.s32 $0xFFFF8000  }
.LBB2_5:
0x7b: {  	v2 =	vld.msk [tilespmem:s29+$0xFFFFFF00], $0xff;
	_ =	sdelay $0x4  }
0x7c: {  	v3 =	vshll.u32 v2, $0x5  }
0x7d: {  	v2 =	vand.u32 $0x7, v2;
	v3 =	vand.u32 $0xFFFFFF00, v3  }
0x7e: {  	v2 =	vor.u32 v2, v3  }
0x7f: {  	v2 =	vperm.xlane v2, v0;
	_ =	sdelay $0x1  }
0x80: {  	v2 =	vadd.s32 v1, v2;
	_ =	sdelay $0x4  }
0x81: {  	[tilespmem:s4], [sflag:$0x3] =	stream.indirect_vreg.gather [hbm4b:s2+s3], $0x80, v2, vm0, $0xb8;
	[tilespmem:$0x1C000] =	vst v63  }
0x82: {  	s25 =	simm.s32 $0x14800  }
0x83: {  	[tilespmem:s25], [sflag:$0x3] =	stream.indirect_vreg.gather [hbm4b:s5+s3], $0x80, v2, vm0, $0xb8;
	[tilespmem:$0x1C000] =	vst v63  }
0x84: {  	s25 =	simm.s32 $0x15000  }
0x85: {  	[tilespmem:s25], [sflag:$0x3] =	stream.indirect_vreg.gather [hbm4b:s6+s3], $0x80, v2, vm0, $0xb8;
	[tilespmem:$0x1C000] =	vst v63  }
0x86: {  	s25 =	simm.s32 $0x15800  }
0x87: {  	[tilespmem:s25], [sflag:$0x3] =	stream.indirect_vreg.gather [hbm4b:s7+s3], $0x80, v2, vm0, $0xb8;
	[tilespmem:$0x1C000] =	vst v63  }
0x88: {  	s25 =	simm.s32 $0x16000  }
0x89: {  	[tilespmem:s25], [sflag:$0x3] =	stream.indirect_vreg.gather [hbm4b:s8+s3], $0x80, v2, vm0, $0xb8;
	[tilespmem:$0x1C000] =	vst v63  }
0x8a: {  	s25 =	simm.s32 $0x16800  }
0x8b: {  	[tilespmem:s25], [sflag:$0x3] =	stream.indirect_vreg.gather [hbm4b:s9+s3], $0x80, v2, vm0, $0xb8;
	[tilespmem:$0x1C000] =	vst v63  }
0x8c: {  	s25 =	simm.s32 $0x17000  }
0x8d: {  	[tilespmem:s25], [sflag:$0x3] =	stream.indirect_vreg.gather [hbm4b:s10+s3], $0x80, v2, vm0, $0xb8;
	[tilespmem:$0x1C000] =	vst v63  }
0x8e: {  	s25 =	simm.s32 $0x17800  }
0x8f: {  	[tilespmem:s25], [sflag:$0x3] =	stream.indirect_vreg.gather [hbm4b:s11+s3], $0x80, v2, vm0, $0xb8;
	[tilespmem:$0x1C000] =	vst v63  }
0x90: {  	s25 =	simm.s32 $0x18000  }
0x91: {  	[tilespmem:s25], [sflag:$0x3] =	stream.indirect_vreg.gather [hbm4b:s12+s3], $0x80, v2, vm0, $0xb8;
	[tilespmem:$0x1C000] =	vst v63  }
0x92: {  	s25 =	simm.s32 $0x18800  }
0x93: {  	[tilespmem:s25], [sflag:$0x3] =	stream.indirect_vreg.gather [hbm4b:s13+s3], $0x80, v2, vm0, $0xb8;
	[tilespmem:$0x1C000] =	vst v63  }
0x94: {  	s25 =	simm.s32 $0x19000  }
0x95: {  	[tilespmem:s25], [sflag:$0x3] =	stream.indirect_vreg.gather [hbm4b:s14+s3], $0x80, v2, vm0, $0xb8;
	[tilespmem:$0x1C000] =	vst v63  }
0x96: {  	s25 =	simm.s32 $0x19800  }
0x97: {  	[tilespmem:s25], [sflag:$0x3] =	stream.indirect_vreg.gather [hbm4b:s15+s3], $0x80, v2, vm0, $0xb8;
	[tilespmem:$0x1C000] =	vst v63  }
0x98: {  	s25 =	simm.s32 $0x1A000  }
0x99: {  	[tilespmem:s25], [sflag:$0x3] =	stream.indirect_vreg.gather [hbm4b:s16+s3], $0x80, v2, vm0, $0xb8;
	[tilespmem:$0x1C000] =	vst v63  }
0x9a: {  	s25 =	simm.s32 $0x1A800  }
0x9b: {  	[tilespmem:s25], [sflag:$0x3] =	stream.indirect_vreg.gather [hbm4b:s17+s3], $0x80, v2, vm0, $0xb8;
	[tilespmem:$0x1C000] =	vst v63  }
0x9c: {  	s25 =	simm.s32 $0x1B000  }
0x9d: {  	[tilespmem:s25], [sflag:$0x3] =	stream.indirect_vreg.gather [hbm4b:s18+s3], $0x80, v2, vm0, $0xb8;
	[tilespmem:$0x1C000] =	vst v63  }
0x9e: {  	s25 =	simm.s32 $0x1B800  }
0x9f: {  	[tilespmem:s25], [sflag:$0x3] =	stream.indirect_vreg.gather [hbm4b:s19+s3], $0x80, v2, vm0, $0xb8;
	[tilespmem:$0x1C000] =	vst v63  }
.LBB2_6:
0xa0: {  	_ =	swait.ge [sflag:s20], $0x8000  }
0xa1: {  	p0 =	seq.s32 s30, $0x7E000;
	[sflag:s20] =	ssyncset.done $0x0  }
.Ltmp4:
0xa2: {  	s25 =	sadd.s32 $0x1000, s0;
	[sflag:s20] =	ssyncadd.s32 $0xFFFF8000;
	(pc) =	sbr.rel @p0 .LBB2_8-.Ltmp4, $4  }
0xa3: {  	[hbm4b:s25+s3] =	stream.linear.scatter [tilespmem:s28], [sflag:$0x5], $0x8000, $0x38;
	[tilespmem:$0x1C000] =	vst v63  }
0xa4: {  	_ =	swait.ge [sflag:s22], $0x8000  }
0xa5: {  	[sflag:s22] =	ssyncset.done $0x0  }
0xa6: {  	[sflag:s22] =	ssyncadd.s32 $0xFFFF8000  }
0xa7: {  	v2 =	vld.msk [tilespmem:s29+$0xFFFFFF80], $0xff;
	_ =	sdelay $0x4  }
0xa8: {  	v3 =	vshll.u32 v2, $0x5  }
0xa9: {  	v2 =	vand.u32 $0x7, v2;
	v3 =	vand.u32 $0xFFFFFF00, v3  }
0xaa: {  	v2 =	vor.u32 v2, v3  }
0xab: {  	v2 =	vperm.xlane v2, v0;
	_ =	sdelay $0x1  }
0xac: {  	v2 =	vadd.s32 v1, v2;
	_ =	sdelay $0x4  }
0xad: {  	[tilespmem:s23], [sflag:$0x1] =	stream.indirect_vreg.gather [hbm4b:s2+s3], $0x80, v2, vm0, $0xb8;
	[tilespmem:$0x1C000] =	vst v63  }
0xae: {  	s25 =	simm.s32 $0x4800  }
0xaf: {  	[tilespmem:s25], [sflag:$0x1] =	stream.indirect_vreg.gather [hbm4b:s5+s3], $0x80, v2, vm0, $0xb8;
	[tilespmem:$0x1C000] =	vst v63  }
0xb0: {  	s25 =	simm.s32 $0x5000  }
0xb1: {  	[tilespmem:s25], [sflag:$0x1] =	stream.indirect_vreg.gather [hbm4b:s6+s3], $0x80, v2, vm0, $0xb8;
	[tilespmem:$0x1C000] =	vst v63  }
0xb2: {  	s25 =	simm.s32 $0x5800  }
0xb3: {  	[tilespmem:s25], [sflag:$0x1] =	stream.indirect_vreg.gather [hbm4b:s7+s3], $0x80, v2, vm0, $0xb8;
	[tilespmem:$0x1C000] =	vst v63  }
0xb4: {  	s25 =	simm.s32 $0x6000  }
0xb5: {  	[tilespmem:s25], [sflag:$0x1] =	stream.indirect_vreg.gather [hbm4b:s8+s3], $0x80, v2, vm0, $0xb8;
	[tilespmem:$0x1C000] =	vst v63  }
0xb6: {  	s25 =	simm.s32 $0x6800  }
0xb7: {  	[tilespmem:s25], [sflag:$0x1] =	stream.indirect_vreg.gather [hbm4b:s9+s3], $0x80, v2, vm0, $0xb8;
	[tilespmem:$0x1C000] =	vst v63  }
0xb8: {  	s25 =	simm.s32 $0x7000  }
0xb9: {  	[tilespmem:s25], [sflag:$0x1] =	stream.indirect_vreg.gather [hbm4b:s10+s3], $0x80, v2, vm0, $0xb8;
	[tilespmem:$0x1C000] =	vst v63  }
0xba: {  	s25 =	simm.s32 $0x7800  }
0xbb: {  	[tilespmem:s25], [sflag:$0x1] =	stream.indirect_vreg.gather [hbm4b:s11+s3], $0x80, v2, vm0, $0xb8;
	[tilespmem:$0x1C000] =	vst v63  }
0xbc: {  	s25 =	simm.s32 $0x8000  }
0xbd: {  	[tilespmem:s25], [sflag:$0x1] =	stream.indirect_vreg.gather [hbm4b:s12+s3], $0x80, v2, vm0, $0xb8;
	[tilespmem:$0x1C000] =	vst v63  }
0xbe: {  	s25 =	simm.s32 $0x8800  }
0xbf: {  	[tilespmem:s25], [sflag:$0x1] =	stream.indirect_vreg.gather [hbm4b:s13+s3], $0x80, v2, vm0, $0xb8;
	[tilespmem:$0x1C000] =	vst v63  }
0xc0: {  	s25 =	simm.s32 $0x9000  }
0xc1: {  	[tilespmem:s25], [sflag:$0x1] =	stream.indirect_vreg.gather [hbm4b:s14+s3], $0x80, v2, vm0, $0xb8;
	[tilespmem:$0x1C000] =	vst v63  }
0xc2: {  	s25 =	simm.s32 $0x9800  }
0xc3: {  	[tilespmem:s25], [sflag:$0x1] =	stream.indirect_vreg.gather [hbm4b:s15+s3], $0x80, v2, vm0, $0xb8;
	[tilespmem:$0x1C000] =	vst v63  }
0xc4: {  	s25 =	simm.s32 $0xA000  }
0xc5: {  	[tilespmem:s25], [sflag:$0x1] =	stream.indirect_vreg.gather [hbm4b:s16+s3], $0x80, v2, vm0, $0xb8;
	[tilespmem:$0x1C000] =	vst v63  }
0xc6: {  	s25 =	simm.s32 $0xA800  }
0xc7: {  	[tilespmem:s25], [sflag:$0x1] =	stream.indirect_vreg.gather [hbm4b:s17+s3], $0x80, v2, vm0, $0xb8;
	[tilespmem:$0x1C000] =	vst v63  }
0xc8: {  	s25 =	simm.s32 $0xB000  }
0xc9: {  	[tilespmem:s25], [sflag:$0x1] =	stream.indirect_vreg.gather [hbm4b:s18+s3], $0x80, v2, vm0, $0xb8;
	[tilespmem:$0x1C000] =	vst v63  }
0xca: {  	s25 =	simm.s32 $0xB800  }
0xcb: {  	[tilespmem:s25], [sflag:$0x1] =	stream.indirect_vreg.gather [hbm4b:s19+s3], $0x80, v2, vm0, $0xb8;
	[tilespmem:$0x1C000] =	vst v63  }
0xcc: {  	_ =	swait.ge [sflag:s26], $0x8000  }
0xcd: {  	[sflag:s26] =	ssyncset.done $0x0  }
0xce: {  	s0 =	sadd.s32 $0x2000, s0;
	[sflag:s26] =	ssyncadd.s32 $0xFFFF8000  }
0xcf: {  	[hbm4b:s0+s3] =	stream.linear.scatter [tilespmem:s4], [sflag:$0x6], $0x8000, $0x38;
	[tilespmem:$0x1C000] =	vst v63  }
0xd0: {  	_ =	swait.ge [sflag:s24], $0x8000  }
0xd1: {  	[sflag:s24] =	ssyncset.done $0x0  }
0xd2: {  	[sflag:s24] =	ssyncadd.s32 $0xFFFF8000  }
0xd3: {  	v2 =	vld.msk [tilespmem:s29+$0x0], $0xff;
	_ =	sdelay $0x4  }
0xd4: {  	v3 =	vshll.u32 v2, $0x5  }
0xd5: {  	v2 =	vand.u32 $0x7, v2;
	v3 =	vand.u32 $0xFFFFFF00, v3  }
0xd6: {  	v2 =	vor.u32 v2, v3  }
0xd7: {  	v2 =	vperm.xlane v2, v0;
	_ =	sdelay $0x1  }
0xd8: {  	v2 =	vadd.s32 v1, v2;
	_ =	sdelay $0x4  }
0xd9: {  	[tilespmem:s28], [sflag:$0x2] =	stream.indirect_vreg.gather [hbm4b:s2+s3], $0x80, v2, vm0, $0xb8;
	[tilespmem:$0x1C000] =	vst v63  }
0xda: {  	s25 =	simm.s32 $0xC800  }
0xdb: {  	[tilespmem:s25], [sflag:$0x2] =	stream.indirect_vreg.gather [hbm4b:s5+s3], $0x80, v2, vm0, $0xb8;
	[tilespmem:$0x1C000] =	vst v63  }
0xdc: {  	s25 =	simm.s32 $0xD000  }
0xdd: {  	[tilespmem:s25], [sflag:$0x2] =	stream.indirect_vreg.gather [hbm4b:s6+s3], $0x80, v2, vm0, $0xb8;
	[tilespmem:$0x1C000] =	vst v63  }
0xde: {  	s25 =	simm.s32 $0xD800  }
0xdf: {  	[tilespmem:s25], [sflag:$0x2] =	stream.indirect_vreg.gather [hbm4b:s7+s3], $0x80, v2, vm0, $0xb8;
	[tilespmem:$0x1C000] =	vst v63  }
0xe0: {  	s25 =	simm.s32 $0xE000  }
0xe1: {  	[tilespmem:s25], [sflag:$0x2] =	stream.indirect_vreg.gather [hbm4b:s8+s3], $0x80, v2, vm0, $0xb8;
	[tilespmem:$0x1C000] =	vst v63  }
0xe2: {  	s25 =	simm.s32 $0xE800  }
0xe3: {  	[tilespmem:s25], [sflag:$0x2] =	stream.indirect_vreg.gather [hbm4b:s9+s3], $0x80, v2, vm0, $0xb8;
	[tilespmem:$0x1C000] =	vst v63  }
0xe4: {  	s25 =	simm.s32 $0xF000  }
0xe5: {  	[tilespmem:s25], [sflag:$0x2] =	stream.indirect_vreg.gather [hbm4b:s10+s3], $0x80, v2, vm0, $0xb8;
	[tilespmem:$0x1C000] =	vst v63  }
0xe6: {  	s25 =	simm.s32 $0xF800  }
0xe7: {  	[tilespmem:s25], [sflag:$0x2] =	stream.indirect_vreg.gather [hbm4b:s11+s3], $0x80, v2, vm0, $0xb8;
	[tilespmem:$0x1C000] =	vst v63  }
0xe8: {  	s25 =	simm.s32 $0x10000  }
0xe9: {  	[tilespmem:s25], [sflag:$0x2] =	stream.indirect_vreg.gather [hbm4b:s12+s3], $0x80, v2, vm0, $0xb8;
	[tilespmem:$0x1C000] =	vst v63  }
0xea: {  	s25 =	simm.s32 $0x10800  }
0xeb: {  	[tilespmem:s25], [sflag:$0x2] =	stream.indirect_vreg.gather [hbm4b:s13+s3], $0x80, v2, vm0, $0xb8;
	[tilespmem:$0x1C000] =	vst v63  }
0xec: {  	s25 =	simm.s32 $0x11000  }
0xed: {  	[tilespmem:s25], [sflag:$0x2] =	stream.indirect_vreg.gather [hbm4b:s14+s3], $0x80, v2, vm0, $0xb8;
	[tilespmem:$0x1C000] =	vst v63  }
0xee: {  	s25 =	simm.s32 $0x11800  }
0xef: {  	[tilespmem:s25], [sflag:$0x2] =	stream.indirect_vreg.gather [hbm4b:s15+s3], $0x80, v2, vm0, $0xb8;
	[tilespmem:$0x1C000] =	vst v63  }
0xf0: {  	s25 =	simm.s32 $0x12000  }
0xf1: {  	[tilespmem:s25], [sflag:$0x2] =	stream.indirect_vreg.gather [hbm4b:s16+s3], $0x80, v2, vm0, $0xb8;
	[tilespmem:$0x1C000] =	vst v63  }
0xf2: {  	s25 =	simm.s32 $0x12800  }
0xf3: {  	[tilespmem:s25], [sflag:$0x2] =	stream.indirect_vreg.gather [hbm4b:s17+s3], $0x80, v2, vm0, $0xb8;
	[tilespmem:$0x1C000] =	vst v63  }
.Ltmp5:
0xf4: {  	_ = 	snop;
	(pc) =	sbr.rel .LBB2_2-.Ltmp5, $4  }
0xf5: {  	s31 =	sadd.s32 $0x1, s31;
	s25 =	simm.s32 $0x13000  }
0xf6: {  	[tilespmem:s25], [sflag:$0x2] =	stream.indirect_vreg.gather [hbm4b:s18+s3], $0x80, v2, vm0, $0xb8;
	[tilespmem:$0x1C000] =	vst v63  }
0xf7: {  	s30 =	sadd.s32 $0x3000, s30;
	s29 =	sadd.s32 $0x180, s29;
	s25 =	simm.s32 $0x13800  }
0xf8: {  	[tilespmem:s25], [sflag:$0x2] =	stream.indirect_vreg.gather [hbm4b:s19+s3], $0x80, v2, vm0, $0xb8;
	[tilespmem:$0x1C000] =	vst v63  }
.LBB2_9:
0xf9: {  	_ =	sfence.sel $0x180000  }
0xfa: {  	[bflag:$0x0] =	sbarrier.arrive $0xFFFF  }
0xfb: {  	_ =	strace $0x90000047  }
0xfc: {  	s0 =	stileid.u32;
	[bflag:$0x2] =	sbarrier.arrive $0xFFFF  }
0xfd: {  	p0 =	sne.s32 s0, $0x0;
	s0 =	rddreg [dreg:$0x3]  }
0xfe: {  	s0 =	sadd.s32 @!p0 $0x100000, s0  }
0xff: {  	[sflag:s0] =	ssyncadd.tile.s32 @!p0 $0x1;
	_ =	shalt  }
.Lfunc_end2:
_tile_overlayer_lowered:
.L_overlay_start_2:
0x100: {  	(tag) =	ssettag $0x2  }
0x101: {  	s0 =	rddreg [dreg:$0x0];
	s2 =	stileid.u32  }
0x102: {  	s1 =	rddreg [dreg:$0x1];
	p0 =	sne.s32 s2, $0x0  }
0x103: {  	s3 =	rddreg [dreg:$0x2];
	[bflag:$0x3] =	sbarrier.arrive $0xFFFF;
	s2 =	simm.s32 @!p0 $0x1C07  }
0x104: {  	[timem:s3], [sflag:s2] =	dma.local @!p0 [hbm:s0], s1  }
0x105: {  	s0 =	simm.s32 @!p0 $0x7  }
0x106: {  	_ =	swait.ge @!p0 [sflag:s0], s1  }
0x107: {  	s1 =	ssub.s32 @!p0 $0x0, s1;
	[sflag:s0] =	ssyncset.done @!p0 $0x0  }
0x108: {  	[sflag:s0] =	ssyncadd.s32 @!p0 s1  }
0x109: {  	[bflag:$0x3] =	sbarrier.arrive $0xFFFF  }
0x10a: {  	_ =	shalt  }

</sc_bundles>
